<compile_context>
chip_gen: v7x
topology: tpu7x:2x2x1
jax: 0.10.2.dev20260603
libtpu: 0.0.44.dev20260713+nightly
codegen_flags: <defaults>
</compile_context>

<pallas_src>
import functools

import numpy as np

import jax
import jax.numpy as jnp
from jax import lax
from jax.experimental import pallas as pl
from jax.experimental.pallas import tpu as pltpu
from jax.experimental.pallas import tpu_sc as plsc

_NUM_CLASSES = 256
_EMBED_DIM = 1024
_PATCH = 16

_B = 2
_H = 512
_W = 512
_HP = _H // _PATCH
_WP = _W // _PATCH
_NPATCH = _B * _HP * _WP
_PPP = _PATCH * _PATCH

_NC = 2
_NS = 16
_NW = _NC * _NS
_PATCH_PER_W = _NPATCH // _NW
_ROWS_PER_W = _H * _B // _NW


def _sc_histogram(semantic_map):
    mesh = plsc.VectorSubcoreMesh(core_axis_name="c", subcore_axis_name="s")

    nbins = _PATCH_PER_W * _NUM_CLASSES
    nchunks = _ROWS_PER_W * _W // 16

    @functools.partial(
        pl.kernel,
        mesh=mesh,
        out_type=jax.ShapeDtypeStruct((_NPATCH, _NUM_CLASSES), jnp.float32),
        scratch_types=[
            pltpu.VMEM((_ROWS_PER_W, _W), jnp.int32),
            pltpu.VMEM((_PATCH_PER_W, _NUM_CLASSES), jnp.float32),
            pltpu.SemaphoreType.DMA,
        ],
        compiler_params=pltpu.CompilerParams(needs_layout_passes=False),
    )
    def hist_kernel(sm_hbm, out_hbm, idx_v, cnt_v, sem):
        wid = lax.axis_index("s") * _NC + lax.axis_index("c")
        b = wid // (_NS * _NC // _B)
        row0 = (wid % (_NS * _NC // _B)) * _ROWS_PER_W

        cp = pltpu.async_copy(
            sm_hbm.at[b, 0, pl.ds(row0, _ROWS_PER_W), :], idx_v, sem
        )

        zeros16 = jnp.zeros((16,), jnp.float32)

        @plsc.parallel_loop(0, nbins // 16, 1, unroll=8)
        def _(k):
            cnt_v[k // 16, pl.ds((k % 16) * 16, 16)] = zeros16

        cp.wait()

        ones16 = jnp.ones((16,), jnp.float32)

        @plsc.parallel_loop(0, nchunks, 1, unroll=16)
        def _(i):
            v = idx_v[i // 32, pl.ds((i % 32) * 16, 16)]
            p = jnp.full((16,), (i // 512) * 32 + (i % 32), jnp.int32)
            plsc.addupdate_scatter(cnt_v, [p, v], ones16)

        pltpu.sync_copy(cnt_v, out_hbm.at[pl.ds(wid * _PATCH_PER_W, _PATCH_PER_W), :])

    return hist_kernel(semantic_map)


def _pos_embed_1d(length, d_half):
    p = np.arange(length, dtype=np.float32)
    om = 1.0 / 10000 ** (np.arange(d_half, dtype=np.float32) / d_half)
    out = np.outer(p, om)
    return jnp.asarray(
        np.concatenate([np.sin(out), np.cos(out)], axis=1), dtype=jnp.float32
    )


_TOK_BLK = 512
_PH_BLK = _TOK_BLK // _WP


def _tc_body(cnt_ref, w_ref, eh_ref, ew_ref, g_ref, b_ref, out_ref):
    x = jnp.dot(
        cnt_ref[...].astype(jnp.bfloat16),
        w_ref[...].astype(jnp.bfloat16),
        preferred_element_type=jnp.float32,
    )
    eh = jnp.broadcast_to(
        eh_ref[...][:, None, :], (_PH_BLK, _WP, _EMBED_DIM // 2)
    ).reshape(_TOK_BLK, _EMBED_DIM // 2)
    ew = jnp.broadcast_to(
        ew_ref[...][None, :, :], (_PH_BLK, _WP, _EMBED_DIM // 2)
    ).reshape(_TOK_BLK, _EMBED_DIM // 2)
    pos = jnp.concatenate([eh, ew], axis=-1)
    x = x * (1.0 / _PPP) + pos
    mu = jnp.mean(x, axis=1, keepdims=True)
    xc = x - mu
    var = jnp.mean(xc * xc, axis=1, keepdims=True)
    out_ref[0] = xc * lax.rsqrt(var + 1e-5) * g_ref[...] + b_ref[...]


def _tc_pool_ln(counts, W_embed, emb_h, emb_w, gamma, beta):
    nblk = _HP // _PH_BLK
    return pl.pallas_call(
        _tc_body,
        grid=(_B, nblk),
        in_specs=[
            pl.BlockSpec((_TOK_BLK, _NUM_CLASSES), lambda b, j: (b * nblk + j, 0)),
            pl.BlockSpec((_NUM_CLASSES, _EMBED_DIM), lambda b, j: (0, 0)),
            pl.BlockSpec((_PH_BLK, _EMBED_DIM // 2), lambda b, j: (j, 0)),
            pl.BlockSpec((_WP, _EMBED_DIM // 2), lambda b, j: (0, 0)),
            pl.BlockSpec((1, _EMBED_DIM), lambda b, j: (0, 0)),
            pl.BlockSpec((1, _EMBED_DIM), lambda b, j: (0, 0)),
        ],
        out_specs=pl.BlockSpec((1, _TOK_BLK, _EMBED_DIM), lambda b, j: (b, j, 0)),
        out_shape=jax.ShapeDtypeStruct((_B, _HP * _WP, _EMBED_DIM), jnp.float32),
    )(counts, W_embed, emb_h, emb_w, gamma, beta)


def kernel(semantic_map, W_embed, ln_gamma, ln_beta):
    counts = _sc_histogram(semantic_map.astype(jnp.int32))
    emb_h = _pos_embed_1d(_HP, _EMBED_DIM // 4)
    emb_w = _pos_embed_1d(_WP, _EMBED_DIM // 4)
    return _tc_pool_ln(
        counts,
        W_embed.astype(jnp.float32),
        emb_h,
        emb_w,
        ln_gamma.reshape(1, _EMBED_DIM),
        ln_beta.reshape(1, _EMBED_DIM),
    )

# --- scband reference (transcript-rebuilt; emitter-appended) ---
"""Pipeline reference for scband-semantic-map-tokenizer-20521353740697 (READ-ONLY COPY).

The authoritative reference and input builder live on the scoring server;
editing this copy changes nothing except your own understanding.
"""

import jax, jax.numpy as jnp
import numpy as np

NUM_CLASSES = 256
EMBED_DIM = 1024
PATCH = 16


def _get_1d_pos_embed(length, d_half):
    pos = jnp.arange(length, dtype=jnp.float32)
    omega = jnp.arange(d_half, dtype=jnp.float32)
    omega = 1.0 / 10000 ** (omega / d_half)
    out = jnp.einsum('n,d->nd', pos, omega)
    return jnp.concatenate([jnp.sin(out), jnp.cos(out)], axis=1)


def _build_2d_sincos_pos_embed(h, w, dim):
    d_h = dim // 2
    d_w = dim - d_h
    d_h_even = (d_h // 2) * 2
    d_w_even = (d_w // 2) * 2
    emb_h = _get_1d_pos_embed(h, d_h_even // 2)
    emb_w = _get_1d_pos_embed(w, d_w_even // 2)
    emb_h = jnp.broadcast_to(emb_h[:, None, :], (h, w, d_h_even))
    emb_w = jnp.broadcast_to(emb_w[None, :, :], (h, w, d_w_even))
    pos = jnp.concatenate([emb_h, emb_w], axis=-1)
    if pos.shape[-1] < dim:
        pad = jnp.zeros((h, w, dim - pos.shape[-1]), dtype=jnp.float32)
        pos = jnp.concatenate([pos, pad], axis=-1)
    elif pos.shape[-1] > dim:
        pos = pos[:, :, :dim]
    return pos


def setup_inputs(seed: int = 0) -> dict:
    key = jax.random.key(seed)
    k1, k2 = jax.random.split(key)
    semantic_map = jax.random.randint(k1, (2, 3, 512, 512), 0, NUM_CLASSES, dtype=jnp.int32)
    W_embed = jax.random.normal(k2, (NUM_CLASSES, EMBED_DIM), dtype=jnp.float32)
    ln_gamma = jnp.ones((EMBED_DIM,), dtype=jnp.float32)
    ln_beta = jnp.zeros((EMBED_DIM,), dtype=jnp.float32)
    return {"semantic_map": semantic_map, "W_embed": W_embed, "ln_gamma": ln_gamma, "ln_beta": ln_beta}


def reference(semantic_map, W_embed, ln_gamma, ln_beta):
    b, c, h, w = semantic_map.shape
    idx = jnp.clip(jnp.round(semantic_map[:, 0]).astype(jnp.int32), 0, NUM_CLASSES - 1)
    pix_emb = jnp.take(W_embed, idx, axis=0)  # [B, H, W, D]
    hp = h // PATCH
    wp = w // PATCH
    d = pix_emb.shape[-1]
    pooled = pix_emb[:, : hp * PATCH, : wp * PATCH, :].reshape(b, hp, PATCH, wp, PATCH, d).mean(axis=(2, 4))  # [B, hp, wp, D]
    pos = _build_2d_sincos_pos_embed(hp, wp, d)  # [hp, wp, D]
    pooled = pooled + pos[None]
    tokens = pooled.reshape(b, hp * wp, d)
    mean = tokens.mean(axis=-1, keepdims=True)
    var = ((tokens - mean) ** 2).mean(axis=-1, keepdims=True)
    tokens = (tokens - mean) / jnp.sqrt(var + 1e-5) * ln_gamma + ln_beta
    return tokens

if __name__ == "__main__":
    import jax
    _d = setup_inputs()
    print(jax.jit(kernel)(*tuple(_d.values())))

</pallas_src>

<mosaic_0001>
#map = affine_map<(d0, d1) -> (0, 0, 0, 0)>
#map1 = affine_map<(d0, d1) -> (0, 0)>
module attributes {stable_mosaic.version = 14 : i64} {
  func.func @hist_kernel(%arg0: i32, %arg1: i32, %arg2: memref<2x3x512x512xi32, #tpu.memory_space<hbm>>, %arg3: memref<2048x256xf32, #tpu.memory_space<hbm>>, %arg4: memref<32x512xi32, #tpu.memory_space<vmem>>, %arg5: memref<64x256xf32, #tpu.memory_space<vmem>>, %arg6: memref<!tpu.dma_semaphore, #tpu.memory_space<semaphore_mem>>) attributes {dimension_semantics = [#tpu.dimension_semantics<core_parallel>, #tpu.dimension_semantics<subcore_parallel>], iteration_bounds = array<i64: 2, 16>, scalar_prefetch = 0 : i64, scratch_operands = 3 : i64, tpu.core_type = #tpu.core_type<sc_vector_subcore>, window_params = [{transform_indices = #map}, {transform_indices = #map1}]} {
    %mul3A = arith.constant 2 : i32
    %mul3A_0 = arith.muli %arg1, %mul3A : i32
    %add3A = arith.addi %mul3A_0, %arg0 : i32
    %jit3A = arith.constant 16 : i32
    %div3A = arith.divsi %add3A, %jit3A : i32
    %sign3A = arith.constant 0 : i32
    %sign3A_1 = arith.cmpi sgt, %add3A, %sign3A : i32
    %sign3A_2 = arith.extui %sign3A_1 : i1 to i32
    %sign3A_3 = arith.constant 0 : i32
    %sign3A_4 = arith.cmpi slt, %add3A, %sign3A_3 : i32
    %sign3A_5 = arith.extui %sign3A_4 : i1 to i32
    %sign3A_6 = arith.subi %sign3A_2, %sign3A_5 : i32
    %sign3A_7 = arith.constant 0 : i32
    %sign3A_8 = arith.cmpi sgt, %jit3A, %sign3A_7 : i32
    %sign3A_9 = arith.extui %sign3A_8 : i1 to i32
    %sign3A_10 = arith.constant 0 : i32
    %sign3A_11 = arith.cmpi slt, %jit3A, %sign3A_10 : i32
    %sign3A_12 = arith.extui %sign3A_11 : i1 to i32
    %sign3A_13 = arith.subi %sign3A_9, %sign3A_12 : i32
    %ne3A = arith.cmpi ne, %sign3A_6, %sign3A_13 : i32
    %rem3A = arith.remsi %add3A, %jit3A : i32
    %ne3A_14 = arith.constant 0 : i32
    %ne3A_15 = arith.cmpi ne, %rem3A, %ne3A_14 : i32
    %and3A = arith.andi %ne3A, %ne3A_15 : i1
    %sub3A = arith.constant 1 : i32
    %sub3A_16 = arith.subi %div3A, %sub3A : i32
    %select_n3A = arith.select %and3A, %sub3A_16, %div3A : i32
    %jit3A_17 = arith.constant 16 : i32
    %eq3A = arith.constant 0 : i32
    %eq3A_18 = arith.cmpi eq, %jit3A_17, %eq3A : i32
    %jit3A_19 = arith.constant 1 : i32
    %select_n3A_20 = arith.select %eq3A_18, %jit3A_19, %jit3A_17 : i32
    %rem3A_21 = arith.remsi %add3A, %select_n3A_20 : i32
    %ne3A_22 = arith.constant 0 : i32
    %ne3A_23 = arith.cmpi ne, %rem3A_21, %ne3A_22 : i32
    %lt3A = arith.constant 0 : i32
    %lt3A_24 = arith.cmpi slt, %rem3A_21, %lt3A : i32
    %lt3A_25 = arith.constant 0 : i32
    %lt3A_26 = arith.cmpi slt, %select_n3A_20, %lt3A_25 : i32
    %ne3A_27 = arith.xori %lt3A_24, %lt3A_26 : i1
    %and3A_28 = arith.andi %ne3A_27, %ne3A_23 : i1
    %add3A_29 = arith.addi %rem3A_21, %select_n3A_20 : i32
    %select_n3A_30 = arith.select %and3A_28, %add3A_29, %rem3A_21 : i32
    %mul3A_31 = arith.constant 32 : i32
    %mul3A_32 = arith.muli %select_n3A_30, %mul3A_31 : i32
    %dma_start3A = arith.constant 0 : i32
    %dma_start3A_33 = arith.constant 0 : i32
    %dma_start3A_34 = tpu.memref_slice %arg2[%select_n3A, %dma_start3A, %mul3A_32, %dma_start3A_33] : memref<2x3x512x512xi32, #tpu.memory_space<hbm>> -> memref<1x1x32x512xi32, #tpu.memory_space<hbm>>
    %dma_start3A_35 = tpu.memref_squeeze %dma_start3A_34 : memref<1x1x32x512xi32, #tpu.memory_space<hbm>> -> memref<32x512xi32, #tpu.memory_space<hbm>>
    %dma_start3A_36 = arith.constant 0 : i32
    %dma_start3A_37 = tpu.memref_slice %arg2[%select_n3A, %dma_start3A, %mul3A_32, %dma_start3A_36] : memref<2x3x512x512xi32, #tpu.memory_space<hbm>> -> memref<1x1x32x512xi32, #tpu.memory_space<hbm>>
    %dma_start3A_38 = tpu.memref_squeeze %dma_start3A_37 : memref<1x1x32x512xi32, #tpu.memory_space<hbm>> -> memref<32x512xi32, #tpu.memory_space<hbm>>
    tpu.enqueue_dma source(%dma_start3A_38 : memref<32x512xi32, #tpu.memory_space<hbm>>) target(%arg4 : memref<32x512xi32, #tpu.memory_space<vmem>>) target_semaphore(%arg6 : memref<!tpu.dma_semaphore, #tpu.memory_space<semaphore_mem>>)
    %broadcast_in_dim3A = arith.constant 0.000000e+00 : f32
    %broadcast_in_dim3A_39 = vector.broadcast %broadcast_in_dim3A : f32 to vector<16xf32>
    %parallel_loop3A = arith.constant 0 : i32
    %parallel_loop3A_40 = arith.constant 1024 : i32
    %parallel_loop3A_41 = arith.constant 1 : i32
    scf.for %parallel_loop3A_55 = %parallel_loop3A to %parallel_loop3A_40 step %parallel_loop3A_41  : i32 {
      %parallel_loop3A_56 = arith.constant 16 : i32
      %parallel_loop3A_57 = arith.divsi %parallel_loop3A_55, %parallel_loop3A_56 : i32
      %parallel_loop3A_58 = arith.constant 0 : i32
      %parallel_loop3A_59 = arith.cmpi sgt, %parallel_loop3A_55, %parallel_loop3A_58 : i32
      %parallel_loop3A_60 = arith.extui %parallel_loop3A_59 : i1 to i32
      %parallel_loop3A_61 = arith.constant 0 : i32
      %parallel_loop3A_62 = arith.cmpi slt, %parallel_loop3A_55, %parallel_loop3A_61 : i32
      %parallel_loop3A_63 = arith.extui %parallel_loop3A_62 : i1 to i32
      %parallel_loop3A_64 = arith.subi %parallel_loop3A_60, %parallel_loop3A_63 : i32
      %parallel_loop3A_65 = arith.constant 0 : i32
      %parallel_loop3A_66 = arith.cmpi sgt, %parallel_loop3A_56, %parallel_loop3A_65 : i32
      %parallel_loop3A_67 = arith.extui %parallel_loop3A_66 : i1 to i32
      %parallel_loop3A_68 = arith.constant 0 : i32
      %parallel_loop3A_69 = arith.cmpi slt, %parallel_loop3A_56, %parallel_loop3A_68 : i32
      %parallel_loop3A_70 = arith.extui %parallel_loop3A_69 : i1 to i32
      %parallel_loop3A_71 = arith.subi %parallel_loop3A_67, %parallel_loop3A_70 : i32
      %parallel_loop3A_72 = arith.cmpi ne, %parallel_loop3A_64, %parallel_loop3A_71 : i32
      %parallel_loop3A_73 = arith.remsi %parallel_loop3A_55, %parallel_loop3A_56 : i32
      %parallel_loop3A_74 = arith.constant 0 : i32
      %parallel_loop3A_75 = arith.cmpi ne, %parallel_loop3A_73, %parallel_loop3A_74 : i32
      %parallel_loop3A_76 = arith.andi %parallel_loop3A_72, %parallel_loop3A_75 : i1
      %parallel_loop3A_77 = arith.constant 1 : i32
      %parallel_loop3A_78 = arith.subi %parallel_loop3A_57, %parallel_loop3A_77 : i32
      %parallel_loop3A_79 = arith.select %parallel_loop3A_76, %parallel_loop3A_78, %parallel_loop3A_57 : i32
      %parallel_loop3A_80 = arith.constant 16 : i32
      %parallel_loop3A_81 = arith.constant 0 : i32
      %parallel_loop3A_82 = arith.cmpi eq, %parallel_loop3A_80, %parallel_loop3A_81 : i32
      %parallel_loop3A_83 = arith.constant 1 : i32
      %parallel_loop3A_84 = arith.select %parallel_loop3A_82, %parallel_loop3A_83, %parallel_loop3A_80 : i32
      %parallel_loop3A_85 = arith.remsi %parallel_loop3A_55, %parallel_loop3A_84 : i32
      %parallel_loop3A_86 = arith.constant 0 : i32
      %parallel_loop3A_87 = arith.cmpi ne, %parallel_loop3A_85, %parallel_loop3A_86 : i32
      %parallel_loop3A_88 = arith.constant 0 : i32
      %parallel_loop3A_89 = arith.cmpi slt, %parallel_loop3A_85, %parallel_loop3A_88 : i32
      %parallel_loop3A_90 = arith.constant 0 : i32
      %parallel_loop3A_91 = arith.cmpi slt, %parallel_loop3A_84, %parallel_loop3A_90 : i32
      %parallel_loop3A_92 = arith.xori %parallel_loop3A_89, %parallel_loop3A_91 : i1
      %parallel_loop3A_93 = arith.andi %parallel_loop3A_92, %parallel_loop3A_87 : i1
      %parallel_loop3A_94 = arith.addi %parallel_loop3A_85, %parallel_loop3A_84 : i32
      %parallel_loop3A_95 = arith.select %parallel_loop3A_93, %parallel_loop3A_94, %parallel_loop3A_85 : i32
      %parallel_loop3A_96 = arith.constant 16 : i32
      %parallel_loop3A_97 = arith.muli %parallel_loop3A_95, %parallel_loop3A_96 : i32
      %parallel_loop3A_98 = arith.index_cast %parallel_loop3A_79 : i32 to index
      %parallel_loop3A_99 = arith.index_cast %parallel_loop3A_97 : i32 to index
      %parallel_loop3A_100 = tpu.vector_load %arg5[%parallel_loop3A_98, %parallel_loop3A_99] {strides = array<i32>} : memref<64x256xf32, #tpu.memory_space<vmem>>, vector<16xf32>,
      tpu.vector_store %arg5[%parallel_loop3A_98, %parallel_loop3A_99], %broadcast_in_dim3A_39 {strides = array<i32>} : memref<64x256xf32, #tpu.memory_space<vmem>>, vector<16xf32>,
    } {sc.loop_unroll_factor = 8 : i64, sc.parallel_access}
    %dma_wait3A = arith.constant 0 : i32
    %dma_wait3A_42 = arith.constant 0 : i32
    %dma_wait3A_43 = tpu.memref_slice %arg2[%select_n3A, %dma_wait3A, %mul3A_32, %dma_wait3A_42] : memref<2x3x512x512xi32, #tpu.memory_space<hbm>> -> memref<1x1x32x512xi32, #tpu.memory_space<hbm>>
    %dma_wait3A_44 = tpu.memref_squeeze %dma_wait3A_43 : memref<1x1x32x512xi32, #tpu.memory_space<hbm>> -> memref<32x512xi32, #tpu.memory_space<hbm>>
    %dma_wait3A_45 = arith.constant 0 : i32
    %dma_wait3A_46 = tpu.memref_slice %arg2[%select_n3A, %dma_wait3A, %mul3A_32, %dma_wait3A_45] : memref<2x3x512x512xi32, #tpu.memory_space<hbm>> -> memref<1x1x32x512xi32, #tpu.memory_space<hbm>>
    %dma_wait3A_47 = tpu.memref_squeeze %dma_wait3A_46 : memref<1x1x32x512xi32, #tpu.memory_space<hbm>> -> memref<32x512xi32, #tpu.memory_space<hbm>>
    tpu.wait_dma2 semaphore(%arg6 : memref<!tpu.dma_semaphore, #tpu.memory_space<semaphore_mem>>) src(%dma_wait3A_47 : memref<32x512xi32, #tpu.memory_space<hbm>>) dst(%arg4 : memref<32x512xi32, #tpu.memory_space<vmem>>)
    %broadcast_in_dim3A_48 = arith.constant 1.000000e+00 : f32
    %broadcast_in_dim3A_49 = vector.broadcast %broadcast_in_dim3A_48 : f32 to vector<16xf32>
    %parallel_loop3A_50 = arith.constant 0 : i32
    %parallel_loop3A_51 = arith.constant 1024 : i32
    %parallel_loop3A_52 = arith.constant 1 : i32
    scf.for %parallel_loop3A_55 = %parallel_loop3A_50 to %parallel_loop3A_51 step %parallel_loop3A_52  : i32 {
      %parallel_loop3A_56 = arith.constant 32 : i32
      %parallel_loop3A_57 = arith.divsi %parallel_loop3A_55, %parallel_loop3A_56 : i32
      %parallel_loop3A_58 = arith.constant 0 : i32
      %parallel_loop3A_59 = arith.cmpi sgt, %parallel_loop3A_55, %parallel_loop3A_58 : i32
      %parallel_loop3A_60 = arith.extui %parallel_loop3A_59 : i1 to i32
      %parallel_loop3A_61 = arith.constant 0 : i32
      %parallel_loop3A_62 = arith.cmpi slt, %parallel_loop3A_55, %parallel_loop3A_61 : i32
      %parallel_loop3A_63 = arith.extui %parallel_loop3A_62 : i1 to i32
      %parallel_loop3A_64 = arith.subi %parallel_loop3A_60, %parallel_loop3A_63 : i32
      %parallel_loop3A_65 = arith.constant 0 : i32
      %parallel_loop3A_66 = arith.cmpi sgt, %parallel_loop3A_56, %parallel_loop3A_65 : i32
      %parallel_loop3A_67 = arith.extui %parallel_loop3A_66 : i1 to i32
      %parallel_loop3A_68 = arith.constant 0 : i32
      %parallel_loop3A_69 = arith.cmpi slt, %parallel_loop3A_56, %parallel_loop3A_68 : i32
      %parallel_loop3A_70 = arith.extui %parallel_loop3A_69 : i1 to i32
      %parallel_loop3A_71 = arith.subi %parallel_loop3A_67, %parallel_loop3A_70 : i32
      %parallel_loop3A_72 = arith.cmpi ne, %parallel_loop3A_64, %parallel_loop3A_71 : i32
      %parallel_loop3A_73 = arith.remsi %parallel_loop3A_55, %parallel_loop3A_56 : i32
      %parallel_loop3A_74 = arith.constant 0 : i32
      %parallel_loop3A_75 = arith.cmpi ne, %parallel_loop3A_73, %parallel_loop3A_74 : i32
      %parallel_loop3A_76 = arith.andi %parallel_loop3A_72, %parallel_loop3A_75 : i1
      %parallel_loop3A_77 = arith.constant 1 : i32
      %parallel_loop3A_78 = arith.subi %parallel_loop3A_57, %parallel_loop3A_77 : i32
      %parallel_loop3A_79 = arith.select %parallel_loop3A_76, %parallel_loop3A_78, %parallel_loop3A_57 : i32
      %parallel_loop3A_80 = arith.constant 32 : i32
      %parallel_loop3A_81 = arith.constant 0 : i32
      %parallel_loop3A_82 = arith.cmpi eq, %parallel_loop3A_80, %parallel_loop3A_81 : i32
      %parallel_loop3A_83 = arith.constant 1 : i32
      %parallel_loop3A_84 = arith.select %parallel_loop3A_82, %parallel_loop3A_83, %parallel_loop3A_80 : i32
      %parallel_loop3A_85 = arith.remsi %parallel_loop3A_55, %parallel_loop3A_84 : i32
      %parallel_loop3A_86 = arith.constant 0 : i32
      %parallel_loop3A_87 = arith.cmpi ne, %parallel_loop3A_85, %parallel_loop3A_86 : i32
      %parallel_loop3A_88 = arith.constant 0 : i32
      %parallel_loop3A_89 = arith.cmpi slt, %parallel_loop3A_85, %parallel_loop3A_88 : i32
      %parallel_loop3A_90 = arith.constant 0 : i32
      %parallel_loop3A_91 = arith.cmpi slt, %parallel_loop3A_84, %parallel_loop3A_90 : i32
      %parallel_loop3A_92 = arith.xori %parallel_loop3A_89, %parallel_loop3A_91 : i1
      %parallel_loop3A_93 = arith.andi %parallel_loop3A_92, %parallel_loop3A_87 : i1
      %parallel_loop3A_94 = arith.addi %parallel_loop3A_85, %parallel_loop3A_84 : i32
      %parallel_loop3A_95 = arith.select %parallel_loop3A_93, %parallel_loop3A_94, %parallel_loop3A_85 : i32
      %parallel_loop3A_96 = arith.constant 16 : i32
      %parallel_loop3A_97 = arith.muli %parallel_loop3A_95, %parallel_loop3A_96 : i32
      %parallel_loop3A_98 = arith.index_cast %parallel_loop3A_79 : i32 to index
      %parallel_loop3A_99 = arith.index_cast %parallel_loop3A_97 : i32 to index
      %parallel_loop3A_100 = tpu.vector_load %arg4[%parallel_loop3A_98, %parallel_loop3A_99] {strides = array<i32>} : memref<32x512xi32, #tpu.memory_space<vmem>>, vector<16xi32>,
      %parallel_loop3A_101 = arith.constant 512 : i32
      %parallel_loop3A_102 = arith.divsi %parallel_loop3A_55, %parallel_loop3A_101 : i32
      %parallel_loop3A_103 = arith.constant 0 : i32
      %parallel_loop3A_104 = arith.cmpi sgt, %parallel_loop3A_55, %parallel_loop3A_103 : i32
      %parallel_loop3A_105 = arith.extui %parallel_loop3A_104 : i1 to i32
      %parallel_loop3A_106 = arith.constant 0 : i32
      %parallel_loop3A_107 = arith.cmpi slt, %parallel_loop3A_55, %parallel_loop3A_106 : i32
      %parallel_loop3A_108 = arith.extui %parallel_loop3A_107 : i1 to i32
      %parallel_loop3A_109 = arith.subi %parallel_loop3A_105, %parallel_loop3A_108 : i32
      %parallel_loop3A_110 = arith.constant 0 : i32
      %parallel_loop3A_111 = arith.cmpi sgt, %parallel_loop3A_101, %parallel_loop3A_110 : i32
      %parallel_loop3A_112 = arith.extui %parallel_loop3A_111 : i1 to i32
      %parallel_loop3A_113 = arith.constant 0 : i32
      %parallel_loop3A_114 = arith.cmpi slt, %parallel_loop3A_101, %parallel_loop3A_113 : i32
      %parallel_loop3A_115 = arith.extui %parallel_loop3A_114 : i1 to i32
      %parallel_loop3A_116 = arith.subi %parallel_loop3A_112, %parallel_loop3A_115 : i32
      %parallel_loop3A_117 = arith.cmpi ne, %parallel_loop3A_109, %parallel_loop3A_116 : i32
      %parallel_loop3A_118 = arith.remsi %parallel_loop3A_55, %parallel_loop3A_101 : i32
      %parallel_loop3A_119 = arith.constant 0 : i32
      %parallel_loop3A_120 = arith.cmpi ne, %parallel_loop3A_118, %parallel_loop3A_119 : i32
      %parallel_loop3A_121 = arith.andi %parallel_loop3A_117, %parallel_loop3A_120 : i1
      %parallel_loop3A_122 = arith.constant 1 : i32
      %parallel_loop3A_123 = arith.subi %parallel_loop3A_102, %parallel_loop3A_122 : i32
      %parallel_loop3A_124 = arith.select %parallel_loop3A_121, %parallel_loop3A_123, %parallel_loop3A_102 : i32
      %parallel_loop3A_125 = arith.constant 32 : i32
      %parallel_loop3A_126 = arith.muli %parallel_loop3A_124, %parallel_loop3A_125 : i32
      %parallel_loop3A_127 = arith.constant 32 : i32
      %parallel_loop3A_128 = arith.constant 0 : i32
      %parallel_loop3A_129 = arith.cmpi eq, %parallel_loop3A_127, %parallel_loop3A_128 : i32
      %parallel_loop3A_130 = arith.constant 1 : i32
      %parallel_loop3A_131 = arith.select %parallel_loop3A_129, %parallel_loop3A_130, %parallel_loop3A_127 : i32
      %parallel_loop3A_132 = arith.remsi %parallel_loop3A_55, %parallel_loop3A_131 : i32
      %parallel_loop3A_133 = arith.constant 0 : i32
      %parallel_loop3A_134 = arith.cmpi ne, %parallel_loop3A_132, %parallel_loop3A_133 : i32
      %parallel_loop3A_135 = arith.constant 0 : i32
      %parallel_loop3A_136 = arith.cmpi slt, %parallel_loop3A_132, %parallel_loop3A_135 : i32
      %parallel_loop3A_137 = arith.constant 0 : i32
      %parallel_loop3A_138 = arith.cmpi slt, %parallel_loop3A_131, %parallel_loop3A_137 : i32
      %parallel_loop3A_139 = arith.xori %parallel_loop3A_136, %parallel_loop3A_138 : i1
      %parallel_loop3A_140 = arith.andi %parallel_loop3A_139, %parallel_loop3A_134 : i1
      %parallel_loop3A_141 = arith.addi %parallel_loop3A_132, %parallel_loop3A_131 : i32
      %parallel_loop3A_142 = arith.select %parallel_loop3A_140, %parallel_loop3A_141, %parallel_loop3A_132 : i32
      %parallel_loop3A_143 = arith.addi %parallel_loop3A_126, %parallel_loop3A_142 : i32
      %parallel_loop3A_144 = vector.broadcast %parallel_loop3A_143 : i32 to vector<16xi32>
      tpu.vector_store_idx %arg5[%parallel_loop3A_144, %parallel_loop3A_100], %broadcast_in_dim3A_49 {add = true} : memref<64x256xf32, #tpu.memory_space<vmem>>[vector<16xi32>, vector<16xi32>], vector<16xf32>,
    } {sc.loop_unroll_factor = 16 : i64, sc.parallel_access}
    %mul3A_53 = arith.constant 64 : i32
    %mul3A_54 = arith.muli %add3A, %mul3A_53 : i32
    "tpu.region"() ({
      %run_scoped3A = tpu.sem_alloc : memref<!tpu.dma_semaphore, #tpu.memory_space<semaphore_mem>>
      %dma_start3A_55 = arith.constant 0 : i32
      %dma_start3A_56 = tpu.memref_slice %arg3[%mul3A_54, %dma_start3A_55] : memref<2048x256xf32, #tpu.memory_space<hbm>> -> memref<64x256xf32, #tpu.memory_space<hbm>>
      %dma_start3A_57 = arith.constant 0 : i32
      %dma_start3A_58 = tpu.memref_slice %arg3[%mul3A_54, %dma_start3A_57] : memref<2048x256xf32, #tpu.memory_space<hbm>> -> memref<64x256xf32, #tpu.memory_space<hbm>>
      tpu.enqueue_dma source(%arg5 : memref<64x256xf32, #tpu.memory_space<vmem>>) target(%dma_start3A_58 : memref<64x256xf32, #tpu.memory_space<hbm>>) target_semaphore(%run_scoped3A : memref<!tpu.dma_semaphore, #tpu.memory_space<semaphore_mem>>)
      %dma_wait3A_59 = arith.constant 0 : i32
      %dma_wait3A_60 = tpu.memref_slice %arg3[%mul3A_54, %dma_wait3A_59] : memref<2048x256xf32, #tpu.memory_space<hbm>> -> memref<64x256xf32, #tpu.memory_space<hbm>>
      %dma_wait3A_61 = arith.constant 0 : i32
      %dma_wait3A_62 = tpu.memref_slice %arg3[%mul3A_54, %dma_wait3A_61] : memref<2048x256xf32, #tpu.memory_space<hbm>> -> memref<64x256xf32, #tpu.memory_space<hbm>>
      tpu.wait_dma2 semaphore(%run_scoped3A : memref<!tpu.dma_semaphore, #tpu.memory_space<semaphore_mem>>) src(%arg5 : memref<64x256xf32, #tpu.memory_space<vmem>>) dst(%dma_wait3A_62 : memref<64x256xf32, #tpu.memory_space<hbm>>)
      tpu.yield
    }) : () -> ()
    return
  }
}

module attributes {stable_mosaic.version = 14 : i64} {
  func.func @_tc_body(%arg0: i32, %arg1: i32, %arg2: memref<512x256xf32, #tpu.memory_space<vmem>>, %arg3: memref<256x1024xf32, #tpu.memory_space<vmem>>, %arg4: memref<16x512xf32, #tpu.memory_space<vmem>>, %arg5: memref<32x512xf32, #tpu.memory_space<vmem>>, %arg6: memref<1x1024xf32, #tpu.memory_space<vmem>>, %arg7: memref<1x1024xf32, #tpu.memory_space<vmem>>, %arg8: memref<1x512x1024xf32, #tpu.memory_space<vmem>>) attributes {dimension_semantics = [#tpu.dimension_semantics<arbitrary>, #tpu.dimension_semantics<arbitrary>], iteration_bounds = array<i64: 2, 2>, scalar_prefetch = 0 : i64, scratch_operands = 0 : i64, tpu.core_type = #tpu.core_type<tc>, window_params = [{transform_indices = @transform_0, window_bounds = array<i64: 512, 256>}, {pipeline_mode = #tpu.pipeline_mode<synchronous>, transform_indices = @transform_1, window_bounds = array<i64: 256, 1024>}, {transform_indices = @transform_2, window_bounds = array<i64: 16, 512>}, {pipeline_mode = #tpu.pipeline_mode<synchronous>, transform_indices = @transform_3, window_bounds = array<i64: 32, 512>}, {pipeline_mode = #tpu.pipeline_mode<synchronous>, transform_indices = @transform_4, window_bounds = array<i64: 1, 1024>}, {pipeline_mode = #tpu.pipeline_mode<synchronous>, transform_indices = @transform_5, window_bounds = array<i64: 1, 1024>}, {transform_indices = @transform_6, window_bounds = array<i64: 1, 512, 1024>}]} {
    %get3A = arith.constant 0 : index
    %get3A_0 = arith.constant 0 : index
    %get3A_1 = vector.load %arg2[%get3A, %get3A_0] : memref<512x256xf32, #tpu.memory_space<vmem>>, vector<512x256xf32>
    %convert_element_type3A = arith.truncf %get3A_1 : vector<512x256xf32> to vector<512x256xbf16>
    %get3A_2 = arith.constant 0 : index
    %get3A_3 = arith.constant 0 : index
    %get3A_4 = vector.load %arg3[%get3A_2, %get3A_3] : memref<256x1024xf32, #tpu.memory_space<vmem>>, vector<256x1024xf32>
    %convert_element_type3A_5 = arith.truncf %get3A_4 : vector<256x1024xf32> to vector<256x1024xbf16>
    %dot_general3A = arith.constant dense<0.000000e+00> : vector<512x1024xf32>
    %dot_general3A_6 = tpu.matmul %convert_element_type3A, %convert_element_type3A_5, %dot_general3A {dimension_numbers = #tpu.dot_dimension_numbers<[1], [0], [0], [1], [0, 0, 1, 1], [], []>, transpose_lhs_hint = false} : vector<512x256xbf16>, vector<256x1024xbf16>, vector<512x1024xf32> -> vector<512x1024xf32>
    %get3A_7 = arith.constant 0 : index
    %get3A_8 = arith.constant 0 : index
    %get3A_9 = vector.load %arg4[%get3A_7, %get3A_8] : memref<16x512xf32, #tpu.memory_space<vmem>>, vector<16x512xf32>
    %broadcast_in_dim3A = vector.shape_cast %get3A_9 : vector<16x512xf32> to vector<16x1x512xf32>
    %broadcast_in_dim3A_10 = vector.shape_cast %broadcast_in_dim3A : vector<16x1x512xf32> to vector<16x1x512xf32>
    %broadcast_in_dim3A_11 = vector.broadcast %broadcast_in_dim3A_10 : vector<16x1x512xf32> to vector<16x32x512xf32>
    %reshape3A = vector.shape_cast %broadcast_in_dim3A_11 : vector<16x32x512xf32> to vector<512x512xf32>
    %get3A_12 = arith.constant 0 : index
    %get3A_13 = arith.constant 0 : index
    %get3A_14 = vector.load %arg5[%get3A_12, %get3A_13] : memref<32x512xf32, #tpu.memory_space<vmem>>, vector<32x512xf32>
    %broadcast_in_dim3A_15 = vector.shape_cast %get3A_14 : vector<32x512xf32> to vector<1x32x512xf32>
    %broadcast_in_dim3A_16 = vector.shape_cast %broadcast_in_dim3A_15 : vector<1x32x512xf32> to vector<1x32x512xf32>
    %broadcast_in_dim3A_17 = vector.broadcast %broadcast_in_dim3A_16 : vector<1x32x512xf32> to vector<16x32x512xf32>
    %reshape3A_18 = vector.shape_cast %broadcast_in_dim3A_17 : vector<16x32x512xf32> to vector<512x512xf32>
    %concatenate3A = tpu.concatenate %reshape3A, %reshape3A_18 in 1 : vector<512x512xf32>, vector<512x512xf32> -> vector<512x1024xf32>
    %mul3A = arith.constant 3.906250e-03 : f32
    %mul3A_19 = vector.broadcast %mul3A : f32 to vector<512x1024xf32>
    %mul3A_20 = arith.mulf %dot_general3A_6, %mul3A_19 : vector<512x1024xf32>
    %add3A = arith.addf %mul3A_20, %concatenate3A : vector<512x1024xf32>
    %reduce_sum3A = arith.constant dense<0.000000e+00> : vector<512xf32>
    %reduce_sum3A_21 = vector.multi_reduction <add>, %add3A, %reduce_sum3A [1] : vector<512x1024xf32> to vector<512xf32>
    %broadcast_in_dim3A_22 = vector.shape_cast %reduce_sum3A_21 : vector<512xf32> to vector<512x1xf32>
    %div3A = arith.constant 1.024000e+03 : f32
    %div3A_23 = vector.broadcast %div3A : f32 to vector<512x1xf32>
    %div3A_24 = arith.divf %broadcast_in_dim3A_22, %div3A_23 : vector<512x1xf32>
    %sub3A = vector.broadcast %div3A_24 : vector<512x1xf32> to vector<512x1024xf32>
    %sub3A_25 = arith.subf %add3A, %sub3A : vector<512x1024xf32>
    %mul3A_26 = arith.mulf %sub3A_25, %sub3A_25 : vector<512x1024xf32>
    %reduce_sum3A_27 = arith.constant dense<0.000000e+00> : vector<512xf32>
    %reduce_sum3A_28 = vector.multi_reduction <add>, %mul3A_26, %reduce_sum3A_27 [1] : vector<512x1024xf32> to vector<512xf32>
    %broadcast_in_dim3A_29 = vector.shape_cast %reduce_sum3A_28 : vector<512xf32> to vector<512x1xf32>
    %div3A_30 = arith.constant 1.024000e+03 : f32
    %div3A_31 = vector.broadcast %div3A_30 : f32 to vector<512x1xf32>
    %div3A_32 = arith.divf %broadcast_in_dim3A_29, %div3A_31 : vector<512x1xf32>
    %add3A_33 = arith.constant 9.99999974E-6 : f32
    %add3A_34 = vector.broadcast %add3A_33 : f32 to vector<512x1xf32>
    %add3A_35 = arith.addf %div3A_32, %add3A_34 : vector<512x1xf32>
    %rsqrt3A = math.rsqrt %add3A_35 : vector<512x1xf32>
    %mul3A_36 = vector.broadcast %rsqrt3A : vector<512x1xf32> to vector<512x1024xf32>
    %mul3A_37 = arith.mulf %sub3A_25, %mul3A_36 : vector<512x1024xf32>
    %get3A_38 = arith.constant 0 : index
    %get3A_39 = arith.constant 0 : index
    %get3A_40 = vector.load %arg6[%get3A_38, %get3A_39] : memref<1x1024xf32, #tpu.memory_space<vmem>>, vector<1x1024xf32>
    %mul3A_41 = vector.broadcast %get3A_40 : vector<1x1024xf32> to vector<512x1024xf32>
    %mul3A_42 = arith.mulf %mul3A_37, %mul3A_41 : vector<512x1024xf32>
    %get3A_43 = arith.constant 0 : index
    %get3A_44 = arith.constant 0 : index
    %get3A_45 = vector.load %arg7[%get3A_43, %get3A_44] : memref<1x1024xf32, #tpu.memory_space<vmem>>, vector<1x1024xf32>
    %add3A_46 = vector.broadcast %get3A_45 : vector<1x1024xf32> to vector<512x1024xf32>
    %add3A_47 = arith.addf %mul3A_42, %add3A_46 : vector<512x1024xf32>
    %swap3A = arith.constant 0 : index
    %swap3A_48 = arith.constant 0 : index
    %swap3A_49 = arith.constant 0 : index
    %swap3A_50 = vector.load %arg8[%swap3A, %swap3A_48, %swap3A_49] : memref<1x512x1024xf32, #tpu.memory_space<vmem>>, vector<1x512x1024xf32>
    %swap3A_51 = vector.shape_cast %swap3A_50 : vector<1x512x1024xf32> to vector<512x1024xf32>
    %swap3A_52 = vector.shape_cast %add3A_47 : vector<512x1024xf32> to vector<1x512x1024xf32>
    tpu.vector_store %arg8[%swap3A, %swap3A_48, %swap3A_49], %swap3A_52 {strides = array<i32>} : memref<1x512x1024xf32, #tpu.memory_space<vmem>>, vector<1x512x1024xf32>,
    return
  }
  func.func @transform_0(%arg0: i32, %arg1: i32) -> (i32, i32) {
    %mul3A = arith.constant 2 : i32
    %mul3A_0 = arith.muli %arg0, %mul3A : i32
    %add3A = arith.addi %mul3A_0, %arg1 : i32
    %c0_i32 = arith.constant 0 : i32
    %c0_i32_1 = arith.constant 0 : i32
    return %add3A, %c0_i32 : i32, i32
  }
  func.func @transform_1(%arg0: i32, %arg1: i32) -> (i32, i32) {
    %c0_i32 = arith.constant 0 : i32
    %c0_i32_0 = arith.constant 0 : i32
    %c0_i32_1 = arith.constant 0 : i32
    return %c0_i32, %c0_i32_0 : i32, i32
  }
  func.func @transform_2(%arg0: i32, %arg1: i32) -> (i32, i32) {
    %c0_i32 = arith.constant 0 : i32
    %c0_i32_0 = arith.constant 0 : i32
    return %arg1, %c0_i32 : i32, i32
  }
  func.func @transform_3(%arg0: i32, %arg1: i32) -> (i32, i32) {
    %c0_i32 = arith.constant 0 : i32
    %c0_i32_0 = arith.constant 0 : i32
    %c0_i32_1 = arith.constant 0 : i32
    return %c0_i32, %c0_i32_0 : i32, i32
  }
  func.func @transform_4(%arg0: i32, %arg1: i32) -> (i32, i32) {
    %c0_i32 = arith.constant 0 : i32
    %c0_i32_0 = arith.constant 0 : i32
    %c0_i32_1 = arith.constant 0 : i32
    return %c0_i32, %c0_i32_0 : i32, i32
  }
  func.func @transform_5(%arg0: i32, %arg1: i32) -> (i32, i32) {
    %c0_i32 = arith.constant 0 : i32
    %c0_i32_0 = arith.constant 0 : i32
    %c0_i32_1 = arith.constant 0 : i32
    return %c0_i32, %c0_i32_0 : i32, i32
  }
  func.func @transform_6(%arg0: i32, %arg1: i32) -> (i32, i32, i32) {
    %c0_i32 = arith.constant 0 : i32
    %c0_i32_0 = arith.constant 0 : i32
    return %arg0, %arg1, %c0_i32 : i32, i32, i32
  }
}

</mosaic_0001>

<sc_bundles>
// kernel: kernel.4.cloned.1.call-start
scs
__scs_entry_jumppad:
0x0: {  	(pc) =	sbr.rel $0x88, $3  }
0x1: {  	(tag) =	ssettag $0x0;
	lr =	simm.s32 $0x1  }
0x2: {  	[smem:$0x3F9D] =	sst lr;
	_ =	strace $0xD0000000  }
0x3: {  	_ = 	snop  }
0x4: {  	_ = 	snop  }
0x5: {  	_ = 	snop  }
0x6: {  	_ = 	snop  }
0x7: {  	_ = 	snop  }
__scs_overlays_trampoline_lowered:
0x8: {  	[smem:$0x3FAC] =	sst s0  }
0x9: {  	[smem:$0x3FAD] =	sst s1  }
0xa: {  	[smem:$0x3FAE] =	sst s2  }
0xb: {  	[smem:$0x3FAF] =	sst s3  }
0xc: {  	[smem:$0x3FB0] =	sst s4  }
0xd: {  	[smem:$0x3FB1] =	sst s5  }
0xe: {  	[smem:$0x3FB2] =	sst s6  }
0xf: {  	[smem:$0x3FB3] =	sst s7  }
0x10: {  	[smem:$0x3FB4] =	sst s8  }
0x11: {  	[smem:$0x3FB5] =	sst s9;
	s0 =	simm.s32 @!p0 $0x0  }
0x12: {  	s1 =	sld [smem:$0x3F9B];
	s0 =	simm.s32 @p0 $0x1  }
0x13: {  	[smem:$0x3FB6] =	sst s0;
	s0 =	simm.s32 @!p1 $0x0  }
0x14: {  	s2 =	sld [smem:$0x3F9A];
	s0 =	simm.s32 @p1 $0x1  }
0x15: {  	[smem:$0x3FB7] =	sst s0;
	s0 =	simm.s32 @!p2 $0x0  }
0x16: {  	s3 =	sld [smem:$0x3FDB];
	s0 =	simm.s32 @p2 $0x1  }
0x17: {  	s4 =	simm.s32 $0x1BF5;
	[smem:$0x3FB9] =	sst s0  }
0x18: {  	s0 =	sld [smem:$0x3F9C];
	_ =	swait.ge [sflag:s4], $0x0  }
0x19: {  	s7 =	sld [smem:$0x3F9D]  }
0x1a: {  	s8 =	sadd.s32 $0xFFFFE003, lr  }
0x1b: {  	s9 =	sadd.s32 $0xFFFFFEF7, lr;
	s5 =	simm.s32 $0xFFFFFFFF;
	p2 =	slt.u32 s8, $0xFFFFF086  }
0x1c: {  	p1 =	slt.u32 s9, $0xF7A;
	s5 =	simm.s32 @!p2 $0x0  }
0x1d: {  	s5 =	simm.s32 @p1 $0x1;
	p0 =	seq.s32 s7, s2  }
0x1e: {  	s7 =	smul.u32 @!p0 $0xF7A, s2;
	p2 =	seq.s32 @!p0 s5, $0x0  }
0x1f: {  	s9 =	smul.u32 $0xF7A, s1;
	s8 =	simm.s32 @!p0 $0x1BF5;
	p2 =	por !p2, p0  }
0x20: {  	[sflag:s8] =	ssyncset.s32 @!p0 $0xFFFFF086;
	s6 =	sadd.s32 @!p0 s3, s7;
	s7 =	simm.s32 @!p0 $0x108  }
0x21: {  	s3 =	sadd.s32 s3, s9;
	s6 =	sadd.s32 @!p0 $0x88, s6;
	s7 =	simm.s32 @p2 $0x1082  }
0x22: {  	[simem:s7], [sflag:s8] =	dma.local @!p0 [hbm:s6], $0xF7A  }
0x23: {  	s9 =	sor.u32 $0xD0000000, s2;
	s6 =	simm.s32 $0x108;
	_ =	swait.ge @!p0 [sflag:s8], $0x0  }
0x24: {  	s3 =	sadd.s32 $0x88, s3;
	s6 =	simm.s32 @!p1 $0x1082;
	[sflag:s4] =	ssyncset.s32 $0xFFFFF086  }
0x25: {  	[simem:s6], [sflag:s4] =	dma.local [hbm:s3], $0xF7A  }
0x26: {  	[smem:$0x3F9D] =	sst s1;
	(tag) =	ssettag s2;
	_ =	strace s9  }
0x27: {  	s1 =	sld [smem:$0x3FAD]  }
0x28: {  	s2 =	sld [smem:$0x3FAE]  }
0x29: {  	s4 =	sld [smem:$0x3FB0]  }
0x2a: {  	p0 =	seq.s32 s5, $0x0;
	s5 =	sld [smem:$0x3FB1]  }
0x2b: {  	s6 =	sld [smem:$0x3FB2]  }
0x2c: {  	s7 =	sld [smem:$0x3FB3]  }
0x2d: {  	s3 =	simm.s32 $0x108;
	s8 =	sld [smem:$0x3FB4]  }
0x2e: {  	s3 =	simm.s32 @!p0 $0x1082;
	s9 =	sld [smem:$0x3FB5]  }
0x2f: {  	lr =	sadd.s32 s0, s3;
	s0 =	sld [smem:$0x3FAC]  }
0x30: {  	s3 =	sld [smem:$0x3FAF]  }
0x31: {  	[smem:$0x3FB8] =	sst s10  }
0x32: {  	s10 =	sld [smem:$0x3FB6];
	_ =	sdelay $0x3  }
0x33: {  	p0 =	seq.s32 s10, $0x1;
	s10 =	sld [smem:$0x3FB8];
	_ =	sdelay $0x3  }
0x34: {  	[smem:$0x3FB8] =	sst s10  }
0x35: {  	s10 =	sld [smem:$0x3FB7];
	_ =	sdelay $0x3  }
0x36: {  	p1 =	seq.s32 s10, $0x1;
	s10 =	sld [smem:$0x3FB8];
	_ =	sdelay $0x3  }
0x37: {  	[smem:$0x3FB8] =	sst s10  }
0x38: {  	s10 =	sld [smem:$0x3FB9]  }
0x39: {  	_ = 	snop;
	(pc) =	sbr.ind lr, $3  }
0x3a: {  	_ = 	snop  }
0x3b: {  	_ = 	snop  }
0x3c: {  	p2 =	seq.s32 s10, $0x1;
	s10 =	sld [smem:$0x3FB8]  }
0x3d: {  	_ =	shalt  }
0x3e: {  	_ =	shalt  }
0x3f: {  	_ =	shalt  }
0x40: {  	_ =	shalt  }
0x41: {  	_ =	shalt  }
0x42: {  	_ =	shalt  }
0x43: {  	_ =	shalt  }
0x44: {  	_ =	shalt  }
0x45: {  	_ =	shalt  }
0x46: {  	_ =	shalt  }
0x47: {  	_ =	shalt  }
0x48: {  	_ =	shalt  }
0x49: {  	_ =	shalt  }
0x4a: {  	_ =	shalt  }
0x4b: {  	_ =	shalt  }
0x4c: {  	_ =	shalt  }
0x4d: {  	_ =	shalt  }
0x4e: {  	_ =	shalt  }
0x4f: {  	_ =	shalt  }
0x50: {  	_ =	shalt  }
0x51: {  	_ =	shalt  }
0x52: {  	_ =	shalt  }
0x53: {  	_ =	shalt  }
0x54: {  	_ =	shalt  }
0x55: {  	_ =	shalt  }
0x56: {  	_ =	shalt  }
0x57: {  	_ =	shalt  }
0x58: {  	_ =	shalt  }
0x59: {  	_ =	shalt  }
0x5a: {  	_ =	shalt  }
0x5b: {  	_ =	shalt  }
0x5c: {  	_ =	shalt  }
0x5d: {  	_ =	shalt  }
0x5e: {  	_ =	shalt  }
0x5f: {  	_ =	shalt  }
0x60: {  	_ =	shalt  }
0x61: {  	_ =	shalt  }
0x62: {  	_ =	shalt  }
0x63: {  	_ =	shalt  }
0x64: {  	_ =	shalt  }
0x65: {  	_ =	shalt  }
0x66: {  	_ =	shalt  }
0x67: {  	_ =	shalt  }
0x68: {  	_ =	shalt  }
0x69: {  	_ =	shalt  }
0x6a: {  	_ =	shalt  }
0x6b: {  	_ =	shalt  }
0x6c: {  	_ =	shalt  }
0x6d: {  	_ =	shalt  }
0x6e: {  	_ =	shalt  }
0x6f: {  	_ =	shalt  }
0x70: {  	_ =	shalt  }
0x71: {  	_ =	shalt  }
0x72: {  	_ =	shalt  }
0x73: {  	_ =	shalt  }
0x74: {  	_ =	shalt  }
0x75: {  	_ =	shalt  }
0x76: {  	_ =	shalt  }
0x77: {  	_ =	shalt  }
0x78: {  	_ =	shalt  }
0x79: {  	_ =	shalt  }
0x7a: {  	_ =	shalt  }
0x7b: {  	_ =	shalt  }
0x7c: {  	_ =	shalt  }
0x7d: {  	_ =	shalt  }
0x7e: {  	_ =	shalt  }
0x7f: {  	_ =	shalt  }
0x80: {  	_ =	shalt  }
0x81: {  	_ =	shalt  }
0x82: {  	_ =	shalt  }
0x83: {  	_ =	shalt  }
0x84: {  	_ =	shalt  }
0x85: {  	_ =	shalt  }
0x86: {  	_ =	shalt  }
0x87: {  	_ =	shalt  }
.Lfunc_end0:
.L_simem_size_0:
called_computation_lowered:
.L_overlay_start_0:
0x88: {  	s2 =	sld [smem:$0x3FD9]  }
0x89: {  	s3 =	sld [smem:$0x3FFE];
	_ =	sdelay $0x1  }
0x8a: {  	s1 =	srdreg.scid  }
0x8b: {  	s0 =	sand.u32 $0x1, s1  }
0x8c: {  	s18 =	sshll.u32 s0, $0xA;
	s2 =	sadd.s32 s3, s2  }
0x8d: {  	s2 =	sadd.s32 s2, s18  }
0x8e: {  	[smem:$0x3FC4] =	sst s2  }
0x8f: {  	_ = 	snop  }
0x90: {  	s2 =	sld [smem:$0x3FC9]  }
0x91: {  	s19 =	sld [smem:$0x3FD0];
	(tm) =	ssettm $0x1  }
0x92: {  	s4 =	sld [smem:$0x3FFB];
	_ =	sdelay $0x3  }
0x93: {  	_ =	strace s4  }
0x94: {  	s4 =	sld [smem:$0x3FFC];
	_ =	sdelay $0x3  }
0x95: {  	_ =	strace s4  }
0x96: {  	s4 =	sld [smem:$0x3FFD];
	_ =	sdelay $0x3  }
0x97: {  	_ =	strace s4  }
0x98: {  	_ =	strace $0x8FFFFFFF  }
0x99: {  	s20 =	sld [smem:$0x3FDB];
	_ =	sdelay $0x1  }
0x9a: {  	s5 =	simm.s32 $_scs_section_size  }
0x9b: {  	s6 =	simm.s32 $_size__tile_overlayer_lowered;
	s7 =	simm.s32 $_tile_overlayer_lowered  }
0x9c: {  	s23 =	simm.s32 $0x1BFF;
	s22 =	sshll.u32 s7, $0x1;
	s4 =	sadd.s32 s5, s20  }
0x9d: {  	s8 =	simm.s32 $0x0;
	s21 =	sshll.u32 s6, $0x1;
	s6 =	sadd.s32 s22, s4  }
0x9e: {  	[timem:s8], [sflag:s23] =	dma.local [hbm:s6], s21  }
0x9f: {  	_ =	swait.ge [sflag:s23], s21  }
0xa0: {  	s5 =	ssub.s32 $0x0, s21;
	[sflag:s23] =	ssyncset.done $0x0  }
0xa1: {  	[sflag:s23] =	ssyncadd.s32 s5;
	_ =	sdelay $0x1  }
0xa2: {  	s24 =	simm.s32 $0x1B8B  }
0xa3: {  	_ =	swait.ge [sflag:s24], $0x1  }
0xa4: {  	[sflag:s24] =	ssyncset.done $0x0  }
0xa5: {  	s25 =	simm.s32 $0x1B8E;
	[sflag:s24] =	ssyncadd.s32 $0xFFFFFFFF  }
0xa6: {  	s26 =	simm.s32 $execute0_lowered;
	[smem:$0x3FD2] =	sst s25  }
0xa7: {  	s5 =	sshll.u32 s26, $0x1;
	_ =	strace $0x80000046;
	[dreg:$0x1] =	wrdreg $0xFFFFFFFF  }
0xa8: {  	s28 =	simm.s32 $_size_execute0_lowered;
	s4 =	sadd.s32 s4, s5;
	[dreg:$0x0] =	wrdreg $0x0  }
0xa9: {  	s5 =	sshll.u32 s28, $0x1;
	[dreg:$0x2] =	wrdreg s4  }
0xaa: {  	[dreg:$0x3] =	wrdreg s5  }
0xab: {  	[dreg:$0x4] =	wrdreg $0xC0  }
0xac: {  	_ =	task [dreg:s8], $0x5FFFF  }
0xad: {  	[dreg:$0x1] =	wrdreg $0xFFFFFFFF  }
0xae: {  	[dreg:$0x0] =	wrdreg $0x60  }
0xaf: {  	[dreg:$0x2] =	wrdreg s2  }
0xb0: {  	[dreg:$0x3] =	wrdreg s19  }
0xb1: {  	[dreg:$0x4] =	wrdreg $0x9  }
0xb2: {  	_ =	task.clear_ibuf [dreg:s8], $0x5FFFF;
	_ =	strace $0x90000046  }
0xb3: {  	s29 =	simm.s32 $0x9;
	_ =	strace $0x80000048  }
0xb4: {  	_ =	swait.ge [sflag:s29], $0x1  }
0xb5: {  	[sflag:s29] =	ssyncadd.s32 $0xFFFFFFFF  }
0xb6: {  	_ =	strace $0x90000048  }
0xb7: {  	_ =	sfence  }
0xb8: {  	s30 =	sld [smem:$0x0];
	_ =	sdelay $0x2  }
0xb9: {  	s31 =	sshll.u32 s1, $0xD;
	s1 =	sshrl.u32 s1, $0x2  }
0xba: {  	s3 =	sand.u32 $0x4000, s31;
	s1 =	sadd.s32 s1, s30  }
0xbb: {  	s0 =	sor.u32 s3, s0;
	s1 =	sshll.u32 s1, $0x11  }
0xbc: {  	s0 =	sor.u32 s1, s0  }
0xbd: {  	s0 =	sadd.s32 $0x8F2B, s0  }
0xbe: {  	[sflag:s0] =	ssyncadd.remote.s32 $0x1  }
0xbf: {  	_ =	sfence.sel $0xFFFF  }
0xc0: {  	[dreg:$0x0] =	wrdreg $0xFFFFFFFF;
	(pc) =	sbr.abs _section_cstart, $3  }
0xc1: {  	[dreg:$0x1] =	wrdreg $0xFFFFFFFF  }
0xc2: {  	_ =	task.clear_ibuf [dreg:s8], $0x2FFFF;
	_ =	strace $0x9FFFFFFF  }
0xc3: {  	(tm) =	ssettm $0x7FFFFFFF  }
tec
execute0_lowered:
.L_overlay_start_1:
0x0: {  	(tag) =	ssettag $0x1  }
0x1: {  	s1 =	srdreg.scid;
	s4 =	rddreg [dreg:$0x0]  }
0x2: {  	s0 =	stileid.u32;
	s6 =	rddreg [dreg:$0x1]  }
0x3: {  	s2 =	simm.s32 $0x0;
	s3 =	sand.u32 $0x1, s1;
	s28 =	sshll.u32 s0, $0x1  }
0x4: {  	s9 =	simm.s32 $0x0;
	s29 =	sshrl.u32 s0, $0x3;
	s5 =	sor.u32 s3, s28  }
0x5: {  	s1 =	rddreg [dreg:$0x2];
	s7 =	smul.u32 $0xC0000, s29;
	s8 =	sshll.u32 s5, $0xE  }
0x6: {  	[smem:$0x7FF] =	sst s2;
	s3 =	ssub.s32 $0x2, s3;
	s8 =	sand.u32 $0x3C000, s8  }
0x7: {  	_ =	strace $0x80000047;
	s30 =	sshrl.u32 s3, $0x1;
	s7 =	sor.u32 s7, s8  }
0x8: {  	s31 =	sshll.u32 s5, $0xB;
	s8 =	ssub.s32 s3, s30;
	s7 =	sshrl.u32 s7, $0x3  }
0x9: {  	v1 =	vimm.s32 $0x0;
	vm0 =	vcmask $0x300;
	s5 =	smax.u32 s8, $0x1;
	s8 =	simm.s32 $0x2;
	s3 =	sadd.s32 s4, s7  }
0xa: {  	v0 =	vimm.f32 $0.0e+00;
	v2 =	vimm.f32 $1.000000000e+00;
	v1 =	vsel vm0, $0xB, v1;
	s4 =	sadd.s32 s6, s31;
	s6 =	simm.s32 $0x1;
	s7 =	simm.s32 $0x4000  }
.LBB2_1:
0xb: {  	[tilespmem:s2], [sflag:$0x1] =	stream.linear.gather [hbm4b:s3+s2], $0x4000, $0x38;
	[tilespmem:$0x8000] =	vst v63  }
0xc: {  	s10 =	simm.s32 $0x0  }
0xd: {  	s11 =	sand.u32 $0x400, s2;
	s12 =	simm.s32 $0x0;
	s10 =	sand.u32 $0x3800, s10  }
0xe: {  	s12 =	sand.u32 $0x380, s12;
	s10 =	sor.u32 s11, s10  }
0xf: {  	s10 =	sor.u32 s12, s10  }
0x10: {  	[tilespmem:s10+$0x4070] =	vst v0  }
0x11: {  	[tilespmem:s10+$0x4000] =	vst v0  }
0x12: {  	s11 =	simm.s32 $0x0;
	s12 =	simm.s32 $0x0;
	[tilespmem:s10+$0x4010] =	vst v0  }
.LBB2_2:
0x13: {  	s11 =	sadd.s32 $0x8, s11;
	[tilespmem:s10+$0x4020] =	vst v0  }
0x14: {  	s12 =	sadd.s32 $0x400, s12;
	s13 =	sshll.u32 s11, $0x4;
	p0 =	slt.u32 s11, $0x3F8;
	[tilespmem:s10+$0x4030] =	vst v0  }
0x15: {  	s14 =	sand.u32 $0x400, s12;
	s15 =	sshll.u32 s11, $0x3;
	s13 =	sand.u32 $0x3800, s13;
	[tilespmem:s10+$0x4040] =	vst v0  }
.Ltmp0:
0x16: {  	s15 =	sand.u32 $0x380, s15;
	s13 =	sor.u32 s14, s13;
	[tilespmem:s10+$0x4050] =	vst v0;
	(pc) =	sbr.rel @p0 .LBB2_2-.Ltmp0, $4  }
0x17: {  	[tilespmem:s10+$0x4060] =	vst v0;
	s10 =	sor.u32 s15, s13  }
0x18: {  	[tilespmem:s10+$0x4070] =	vst v0  }
0x19: {  	[tilespmem:s10+$0x4000] =	vst v0  }
0x1a: {  	[tilespmem:s10+$0x4010] =	vst v0  }
0x1b: {  	[tilespmem:s10+$0x4020] =	vst v0  }
0x1c: {  	[tilespmem:s10+$0x4030] =	vst v0  }
0x1d: {  	[tilespmem:s10+$0x4040] =	vst v0;
	s11 =	simm.s32 $0x780;
	s12 =	simm.s32 $0x0;
	s13 =	simm.s32 $0x0  }
0x1e: {  	[tilespmem:s10+$0x4050] =	vst v0;
	s24 =	simm.s32 $0x9;
	s14 =	simm.s32 $0xFFFFFFEF;
	s16 =	simm.s32 $0xB  }
0x1f: {  	[tilespmem:s10+$0x4060] =	vst v0;
	s10 =	simm.s32 $0x0;
	s25 =	simm.s32 $0x0;
	s18 =	simm.s32 $0x0  }
0x20: {  	s20 =	simm.s32 $0x700;
	s30 =	simm.s32 $0xE;
	_ =	swait.ge [sflag:s6], $0x4000  }
0x21: {  	s15 =	sand.u32 $0x19, s24;
	s17 =	sand.u32 $0x1F, s14;
	s14 =	sand.u32 $0x20, s12  }
0x22: {  	s12 =	sand.u32 $0x3000, s25;
	s19 =	sand.u32 $0xC00, s11;
	s11 =	sand.u32 $0x380, s18  }
0x23: {  	s20 =	sand.u32 $0xC00, s20;
	s21 =	sand.u32 $0x800, s13;
	s29 =	sand.u32 $0x1B, s16  }
0x24: {  	s13 =	sand.u32 $0x10, s10;
	[sflag:s6] =	ssyncset.done $0x0;
	s26 =	sor.u32 s19, s12  }
0x25: {  	s17 =	sor.u32 s17, s14;
	s16 =	sor.u32 s29, s14;
	s15 =	sor.u32 s15, s14  }
0x26: {  	s29 =	sor.u32 s20, s12;
	[sflag:s6] =	ssyncadd.s32 $0xFFFFC000;
	s18 =	sor.u32 s11, s26  }
0x27: {  	s22 =	sor.u32 s13, s14;
	s24 =	sor.u32 s21, s12;
	v3 =	vmov s17;
	v5 =	vmov s16;
	v7 =	vmov s15;
	s15 =	sor.u32 s11, s29;
	v4 =	vld [tilespmem:s18+$0x70]  }
0x28: {  	s31 =	simm.s32 $0xC;
	s17 =	sand.u32 $0x1E, s30;
	v6 =	vmov s22;
	s21 =	sor.u32 s11, s24;
	v3 =	vshrl.u32 v3, $0x3;
	v5 =	vshrl.u32 v5, $0x3;
	v13 =	vld [tilespmem:s15+$0x60]  }
0x29: {  	s18 =	sand.u32 $0x1C, s31;
	s23 =	sor.u32 s17, s14;
	v7 =	vshrl.u32 v7, $0x3;
	v6 =	vshrl.u32 v6, $0x3;
	v15 =	vld [tilespmem:s21+$0x70];
	v3 =	vshll.u32 v3, v1  }
0x2a: {  	v16 =	vld [tilespmem:s21+$0x60];
	s25 =	sor.u32 s18, s14;
	v8 =	vmov s23;
	v7 =	vshll.u32 v7, v1;
	v6 =	vshll.u32 v6, v1  }
0x2b: {  	s28 =	simm.s32 $0x480;
	s30 =	simm.s32 $0xA;
	v26 =	vld [tilespmem:s21+$0x40];
	v5 =	vshll.u32 v5, v1;
	v9 =	vmov s25;
	v8 =	vshrl.u32 v8, $0x3  }
0x2c: {  	s19 =	sand.u32 $0xC00, s28;
	s28 =	simm.s32 $0xD;
	s20 =	sand.u32 $0x1A, s30;
	v27 =	vld [tilespmem:s21+$0x20];
	v3 =	vbroadcast v3, $0x0;
	v9 =	vshrl.u32 v9, $0x3;
	v8 =	vshll.u32 v8, v1  }
0x2d: {  	s26 =	simm.s32 $0x500;
	s31 =	sor.u32 s20, s14;
	s20 =	simm.s32 $0x600;
	v8 =	vbroadcast v8, $0x0;
	v9 =	vshll.u32 v9, v1;
	v10 =	vshll.u32 v4, $0x3  }
0x2e: {  	s19 =	sor.u32 s19, s12;
	s23 =	sor.u32 $0x8, s13;
	s22 =	sand.u32 $0xC00, s20;
	v4 =	vand.u32 $0x7F, v4;
	v30 =	vbroadcast v9, $0x0;
	v17 =	vshll.u32 v15, $0x3  }
0x2f: {  	s19 =	sor.u32 s11, s19;
	s24 =	sshll.u32 s23, $0x7;
	s17 =	sor.u32 s22, s12;
	v31 =	vand.u32 $0x7F, v16;
	v19 =	vshll.u32 v13, $0x3;
	v16 =	vshll.u32 v16, $0x3  }
0x30: {  	s16 =	sand.u32 $0xC00, s26;
	v11 =	vld [tilespmem:s19+$0x10];
	s26 =	sor.u32 s24, s12;
	s25 =	sor.u32 s11, s17;
	v13 =	vand.u32 $0x7F, v13;
	v15 =	vand.u32 $0x7F, v15;
	v33 =	vshll.u32 v26, $0x3  }
0x31: {  	s18 =	sand.u32 $0x1D, s28;
	s28 =	sor.u32 s11, s26;
	v29 =	vld [tilespmem:s25+$0x40];
	v22 =	vand.u32 $0x7F, v27;
	v28 =	vshll.u32 v27, $0x3;
	v10 =	vand.u32 $0xFFFFFC00, v10  }
0x32: {  	s18 =	sor.u32 s18, s14;
	v20 =	vld [tilespmem:s28+$0x0];
	v19 =	vand.u32 $0xFFFFFC00, v19;
	v17 =	vand.u32 $0xFFFFFC00, v17;
	v35 =	vand.u32 $0xFFFFFC00, v16  }
0x33: {  	v9 =	vld [tilespmem:s21+$0x30];
	v3 =	vadd.s32 v3, v10;
	v10 =	vmov s18;
	v8 =	vadd.s32 v8, v19  }
0x34: {  	v3 =	vor.u32 v4, v3;
	v4 =	vmov s31;
	v12 =	vshrl.u32 v10, $0x3  }
0x35: {  	v25 =	vld [tilespmem:s21+$0x50];
	v10 =	vbroadcast v7, $0x0;
	v8 =	vor.u32 v13, v8;
	v4 =	vshrl.u32 v4, $0x3  }
0x36: {  	s16 =	sor.u32 s16, s12;
	v23 =	vor.u32 $0x380, v3;
	v7 =	vshll.u32 v12, v1;
	v12 =	vshll.u32 v11, $0x3  }
0x37: {  	s16 =	sor.u32 s11, s16;
	v13 =	vor.u32 $0x300, v8;
	v4 =	vshll.u32 v4, v1;
	v18 =	vand.u32 $0xFFFFFC00, v12  }
0x38: {  	v3 =	vld [tilespmem:s16+$0x20];
	v32 =	vshll.u32 v29, $0x3;
	v21 =	vshll.u32 v20, $0x3;
	v8 =	vshll.u32 v9, $0x3  }
0x39: {  	s13 =	sshll.u32 s13, $0x7;
	s14 =	sor.u32 s23, s14;
	v20 =	vand.u32 $0x7F, v20;
	v9 =	vand.u32 $0x7F, v9;
	v63 =	vand.u32 $0x7F, v29  }
0x3a: {  	s13 =	sor.u32 s13, s12;
	v29 =	vshll.u32 v25, $0x3;
	v24 =	vbroadcast v4, $0x0;
	v4 =	vmov s14  }
0x3b: {  	s13 =	sor.u32 s11, s13;
	v19 =	vand.u32 $0xFFFFFC00, v21;
	v14 =	vshrl.u32 v4, $0x3;
	v4 =	vbroadcast v6, $0x0  }
0x3c: {  	v34 =	vand.u32 $0xFFFFFC00, v8;
	v8 =	vld [tilespmem:s13+$0x0];
	v6 =	vshll.u32 v14, v1;
	v14 =	vand.u32 $0x7F, v11  }
0x3d: {  	v11 =	vld [tilespmem:s21+$0x10];
	v12 =	vbroadcast v6, $0x0;
	v6 =	vshll.u32 v3, $0x3;
	v16 =	vadd.s32 v4, v34  }
0x3e: {  	s29 =	simm.s32 $0x580;
	v9 =	vor.u32 v9, v16;
	v16 =	vand.u32 $0x7F, v26;
	v26 =	vadd.s32 v4, v35  }
0x3f: {  	s31 =	simm.s32 $0x680;
	s14 =	sand.u32 $0xC00, s29;
	[tilespmem:v23+s7+$0x0] =	vst.idx.add.f32.msk $0xffff, v2;
	v23 =	vand.u32 $0xFFFFFC00, v33;
	v26 =	vor.u32 v31, v26;
	v31 =	vand.u32 $0xFFFFFC00, v32  }
0x40: {  	s30 =	sor.u32 s14, s12;
	s14 =	sand.u32 $0xC00, s31;
	v6 =	vand.u32 $0xFFFFFC00, v6;
	v27 =	vor.u32 $0x180, v9;
	v30 =	vadd.s32 v30, v31  }
0x41: {  	s13 =	sor.u32 s11, s30;
	s12 =	sor.u32 s14, s12;
	[tilespmem:v13+s7+$0x0] =	vst.idx.add.f32.msk $0xffff, v2;
	v13 =	vshll.u32 v8, $0x3;
	v26 =	vor.u32 $0x300, v26;
	v30 =	vor.u32 v63, v30  }
0x42: {  	v9 =	vld [tilespmem:s13+$0x30];
	s13 =	sor.u32 s11, s12;
	v6 =	vadd.s32 v24, v6;
	s11 =	simm.s32 $0xF80;
	s12 =	simm.s32 $0x1;
	v21 =	vshll.u32 v11, $0x3;
	v24 =	vor.u32 $0x200, v30  }
.LBB2_4:
0x43: {  	s15 =	sadd.s32 $0xFFFFF880, s11  }
0x44: {  	s14 =	sadd.s32 $0x19, s10;
	s18 =	sadd.s32 $0xFFFFFFFF, s10;
	v28 =	vand.u32 $0xFFFFFC00, v28;
	v29 =	vand.u32 $0xFFFFFC00, v29;
	v10 =	vadd.s32 v10, v18;
	v18 =	vld [tilespmem:s13+$0x50];
	s16 =	smov.u32 s10  }
0x45: {  	s19 =	sadd.s32 $0x1B, s10;
	v25 =	vand.u32 $0x7F, v25;
	s17 =	sand.u32 $0x19, s14;
	s18 =	sand.u32 $0x1F, s18;
	v28 =	vadd.s32 v4, v28;
	[tilespmem:v27+s7+$0x0] =	vst.idx.add.f32.msk $0xffff, v2;
	v27 =	vadd.s32 v4, v29  }
0x46: {  	s10 =	sadd.s32 $0x10, s10;
	s13 =	sand.u32 $0x20, s12;
	v21 =	vand.u32 $0xFFFFFC00, v21;
	s14 =	sadd.s32 $0xFFFFFF80, s11;
	v10 =	vor.u32 v14, v10;
	v25 =	vor.u32 v25, v27;
	[tilespmem:v26+s7+$0x0] =	vst.idx.add.f32.msk $0xffff, v2  }
0x47: {  	s21 =	sadd.s32 $0xFFFFFD00, s11;
	s20 =	sshll.u32 s10, $0x4;
	s22 =	sand.u32 $0xC00, s14;
	v14 =	vor.u32 v22, v28;
	v10 =	vor.u32 $0x80, v10;
	v22 =	vor.u32 $0x280, v25  }
0x48: {  	v12 =	vadd.s32 v12, v19;
	s15 =	sand.u32 $0x800, s15;
	v21 =	vadd.s32 v4, v21;
	s14 =	sand.u32 $0x3000, s20;
	s20 =	sand.u32 $0x1B, s19;
	v14 =	vor.u32 $0x100, v14  }
0x49: {  	v11 =	vand.u32 $0x7F, v11;
	v17 =	vadd.s32 v4, v17;
	s23 =	sshll.u32 s10, $0x2;
	v12 =	vor.u32 v20, v12;
	s19 =	sor.u32 s15, s14;
	s20 =	sor.u32 s20, s13;
	[tilespmem:v24+s7+$0x0] =	vst.idx.add.f32.msk $0xffff, v2  }
0x4a: {  	s24 =	sadd.s32 $0xFFFFFD80, s11;
	s26 =	sand.u32 $0xC00, s11;
	v7 =	vbroadcast v7, $0x0;
	s25 =	sadd.s32 $0x1C, s16;
	v11 =	vor.u32 v11, v21;
	v19 =	vshll.u32 v18, $0x3  }
0x4b: {  	v20 =	vadd.s32 v4, v23;
	v15 =	vor.u32 v15, v17;
	s15 =	sand.u32 $0x380, s23;
	s23 =	sadd.s32 $0x1E, s16;
	s26 =	sor.u32 s26, s14;
	v17 =	vand.u32 $0xFFFFFC00, v19  }
0x4c: {  	s28 =	sadd.s32 $0xFFFFFE00, s11;
	s29 =	sadd.s32 $0xFFFFFE80, s11;
	s18 =	sor.u32 s18, s13;
	v15 =	vor.u32 $0x380, v15;
	v7 =	vadd.s32 v7, v17;
	[tilespmem:v10+s7+$0x0] =	vst.idx.add.f32.msk $0xffff, v2;
	v10 =	vand.u32 $0x7F, v18  }
0x4d: {  	s30 =	sand.u32 $0xC00, s21;
	s24 =	sand.u32 $0xC00, s24;
	s21 =	sadd.s32 $0x1D, s16;
	v11 =	vor.u32 $0x80, v11;
	v17 =	vmov s18;
	[tilespmem:v14+s7+$0x0] =	vst.idx.add.f32.msk $0xffff, v2;
	v7 =	vor.u32 v10, v7  }
0x4e: {  	s30 =	sor.u32 s30, s14;
	s18 =	sor.u32 s24, s14;
	s24 =	sadd.s32 $0xFFFFFF00, s11;
	v10 =	vshrl.u32 v17, $0x3;
	v14 =	vor.u32 v16, v20;
	[tilespmem:v22+s7+$0x0] =	vst.idx.add.f32.msk $0xffff, v2;
	v7 =	vor.u32 $0x280, v7  }
0x4f: {  	v5 =	vbroadcast v5, $0x0;
	s22 =	sor.u32 s22, s14;
	s23 =	sand.u32 $0x1E, s23;
	s18 =	sor.u32 s15, s18;
	v14 =	vor.u32 $0x200, v14;
	[tilespmem:v12+s7+$0x0] =	vst.idx.add.f32.msk $0xffff, v2;
	v12 =	vshll.u32 v9, $0x3  }
0x50: {  	s28 =	sand.u32 $0xC00, s28;
	s22 =	sor.u32 s15, s22;
	s26 =	sor.u32 s15, s26;
	v10 =	vshll.u32 v10, v1;
	v9 =	vand.u32 $0x7F, v9;
	v12 =	vand.u32 $0xFFFFFC00, v12  }
0x51: {  	v8 =	vand.u32 $0x7F, v8;
	s31 =	sand.u32 $0x10, s10;
	s25 =	sand.u32 $0x1C, s25;
	s30 =	sor.u32 s15, s30;
	v10 =	vbroadcast v10, $0x0;
	v16 =	vld [tilespmem:s26+$0x70];
	v5 =	vadd.s32 v5, v12  }
0x52: {  	v13 =	vand.u32 $0xFFFFFC00, v13;
	s28 =	sor.u32 s28, s14;
	s26 =	sor.u32 s31, s13;
	v12 =	vmov s20;
	s20 =	sand.u32 $0xC00, s29;
	[tilespmem:v11+s7+$0x0] =	vst.idx.add.f32.msk $0xffff, v2;
	v5 =	vor.u32 v9, v5  }
0x53: {  	v4 =	vadd.s32 v4, v13;
	s17 =	sor.u32 s17, s13;
	s23 =	sor.u32 s23, s13;
	v9 =	vmov s26;
	s20 =	sor.u32 s20, s14;
	v17 =	vld [tilespmem:s30+$0x10];
	v5 =	vor.u32 $0x180, v5  }
0x54: {  	v4 =	vor.u32 v8, v4;
	s16 =	sadd.s32 $0x1A, s16;
	v13 =	vmov s23;
	v11 =	vmov s17;
	s17 =	sor.u32 s25, s13;
	s20 =	sor.u32 s15, s20;
	[tilespmem:v14+s7+$0x0] =	vst.idx.add.f32.msk $0xffff, v2  }
0x55: {  	s21 =	sand.u32 $0x1D, s21;
	s23 =	sand.u32 $0x1A, s16;
	v13 =	vshrl.u32 v13, $0x3;
	v8 =	vshrl.u32 v12, $0x3;
	v12 =	vmov s17;
	s17 =	sand.u32 $0xC00, s24;
	v19 =	vld [tilespmem:s22+$0x60]  }
0x56: {  	s16 =	sor.u32 s15, s19;
	s19 =	sor.u32 $0x8, s31;
	v13 =	vshll.u32 v13, v1;
	v12 =	vshrl.u32 v12, $0x3;
	s22 =	sshll.u32 s31, $0x7;
	v14 =	vshll.u32 v16, $0x3;
	[tilespmem:v15+s7+$0x0] =	vst.idx.add.f32.msk $0xffff, v2  }
0x57: {  	v13 =	vbroadcast v13, $0x0;
	s24 =	sshll.u32 s19, $0x7;
	v11 =	vshrl.u32 v11, $0x3;
	s25 =	sor.u32 s17, s14;
	s22 =	sor.u32 s22, s14;
	v14 =	vand.u32 $0xFFFFFC00, v14;
	[tilespmem:v7+s7+$0x0] =	vst.idx.add.f32.msk $0xffff, v2  }
0x58: {  	v3 =	vand.u32 $0x7F, v3;
	s21 =	sor.u32 s21, s13;
	s17 =	sor.u32 s15, s22;
	s22 =	sor.u32 s15, s28;
	v7 =	vand.u32 $0x7F, v16;
	v15 =	vld [tilespmem:s16+$0x60];
	v10 =	vadd.s32 v10, v14  }
0x59: {  	v3 =	vor.u32 v3, v6;
	s19 =	sor.u32 s19, s13;
	s13 =	sor.u32 s23, s13;
	s14 =	sor.u32 s24, s14;
	v14 =	vmov s21;
	v16 =	vld [tilespmem:s16+$0x30];
	v7 =	vor.u32 v7, v10  }
0x5a: {  	p0 =	slt.u32 s10, $0x3F0;
	v20 =	vor.u32 $0x100, v3;
	s14 =	sor.u32 s15, s14;
	v10 =	vmov s13;
	s13 =	sor.u32 s15, s25;
	v14 =	vshrl.u32 v14, $0x3;
	v6 =	vld [tilespmem:s16+$0x40]  }
0x5b: {  	v3 =	vshrl.u32 v9, $0x3;
	v9 =	vshll.u32 v11, v1;
	v11 =	vshrl.u32 v10, $0x3;
	v22 =	vld [tilespmem:s16+$0x70]  }
0x5c: {  	v10 =	vbroadcast v9, $0x0;
	v21 =	vor.u32 $0x380, v7;
	v9 =	vshll.u32 v11, v1;
	[tilespmem:v5+s7+$0x0] =	vst.idx.add.f32.msk $0xffff, v2  }
0x5d: {  	v11 =	vshll.u32 v3, v1;
	v24 =	vbroadcast v9, $0x0;
	v5 =	vshll.u32 v8, v1;
	v3 =	vld [tilespmem:s18+$0x20]  }
0x5e: {  	v7 =	vshll.u32 v14, v1;
	v8 =	vmov s19;
	v23 =	vld [tilespmem:s20+$0x40]  }
0x5f: {  	v12 =	vshll.u32 v12, v1;
	v9 =	vshll.u32 v17, $0x3;
	[tilespmem:v4+s7+$0x0] =	vst.idx.add.f32.msk $0xffff, v2  }
0x60: {  	v29 =	vbroadcast v12, $0x0;
	v8 =	vshrl.u32 v8, $0x3;
	v18 =	vand.u32 $0xFFFFFC00, v9;
	v25 =	vld [tilespmem:s14+$0x0]  }
0x61: {  	v14 =	vand.u32 $0x7F, v17;
	v8 =	vshll.u32 v8, v1;
	v4 =	vbroadcast v11, $0x0;
	v11 =	vld [tilespmem:s16+$0x10]  }
0x62: {  	v12 =	vbroadcast v8, $0x0;
	v17 =	vshll.u32 v22, $0x3;
	v8 =	vshll.u32 v3, $0x3;
	[tilespmem:v20+s7+$0x0] =	vst.idx.add.f32.msk $0xffff, v2  }
0x63: {  	v26 =	vand.u32 $0x7F, v15;
	v30 =	vand.u32 $0xFFFFFC00, v8;
	v9 =	vld [tilespmem:s22+$0x30];
	v8 =	vshll.u32 v19, $0x3  }
0x64: {  	v28 =	vshll.u32 v15, $0x3;
	v31 =	vshll.u32 v23, $0x3;
	v27 =	vld [tilespmem:s16+$0x20];
	v8 =	vand.u32 $0xFFFFFC00, v8  }
0x65: {  	v20 =	vand.u32 $0x7F, v19;
	v15 =	vshll.u32 v25, $0x3;
	v8 =	vadd.s32 v13, v8;
	[tilespmem:v21+s7+$0x0] =	vst.idx.add.f32.msk $0xffff, v2  }
0x66: {  	v17 =	vand.u32 $0xFFFFFC00, v17;
	v19 =	vand.u32 $0xFFFFFC00, v15;
	v8 =	vor.u32 v20, v8  }
0x67: {  	v21 =	vshll.u32 v11, $0x3;
	v15 =	vand.u32 $0x7F, v22;
	v13 =	vor.u32 $0x300, v8  }
0x68: {  	v32 =	vshll.u32 v16, $0x3;
	v33 =	vshll.u32 v6, $0x3;
	v20 =	vand.u32 $0x7F, v25;
	v8 =	vld [tilespmem:s17+$0x0]  }
0x69: {  	v34 =	vand.u32 $0xFFFFFC00, v28;
	v32 =	vand.u32 $0xFFFFFC00, v32;
	v22 =	vand.u32 $0x7F, v27;
	v25 =	vld [tilespmem:s16+$0x50]  }
0x6a: {  	v16 =	vand.u32 $0x7F, v16;
	v28 =	vshll.u32 v27, $0x3;
	v27 =	vadd.s32 v4, v32  }
.Ltmp1:
0x6b: {  	v27 =	vor.u32 v16, v27;
	v16 =	vand.u32 $0x7F, v6;
	v6 =	vadd.s32 v4, v34;
	(pc) =	sbr.rel @p0 .LBB2_4-.Ltmp1, $4  }
0x6c: {  	v31 =	vand.u32 $0xFFFFFC00, v31;
	v27 =	vor.u32 $0x180, v27;
	v6 =	vor.u32 v26, v6;
	[tilespmem:v13+s7+$0x0] =	vst.idx.add.f32.msk $0xffff, v2  }
0x6d: {  	v26 =	vor.u32 $0x300, v6;
	v6 =	vand.u32 $0x7F, v23;
	v13 =	vadd.s32 v29, v31  }
0x6e: {  	v23 =	vand.u32 $0xFFFFFC00, v33;
	v31 =	vor.u32 v6, v13;
	v29 =	vshll.u32 v25, $0x3  }
0x6f: {  	s12 =	sadd.s32 $0x1, s12;
	s11 =	sadd.s32 $0x800, s11;
	v13 =	vshll.u32 v8, $0x3;
	v6 =	vadd.s32 v24, v30;
	v24 =	vor.u32 $0x200, v31  }
0x70: {  	v28 =	vand.u32 $0xFFFFFC00, v28  }
0x71: {  	v29 =	vand.u32 $0xFFFFFC00, v29;
	v10 =	vadd.s32 v10, v18;
	v25 =	vand.u32 $0x7F, v25  }
0x72: {  	v21 =	vand.u32 $0xFFFFFC00, v21;
	v12 =	vadd.s32 v12, v19;
	v11 =	vand.u32 $0x7F, v11  }
0x73: {  	v17 =	vadd.s32 v4, v17;
	v7 =	vbroadcast v7, $0x0;
	v57 =	vadd.s32 v4, v23  }
0x74: {  	v5 =	vbroadcast v5, $0x0;
	v59 =	vshll.u32 v9, $0x3;
	v62 =	vand.u32 $0x7F, v9  }
0x75: {  	v8 =	vand.u32 $0x7F, v8;
	v13 =	vand.u32 $0xFFFFFC00, v13;
	v3 =	vand.u32 $0x7F, v3  }
0x76: {  	v53 =	vld [tilespmem:s13+$0x50];
	v52 =	vadd.s32 v4, v28;
	v10 =	vor.u32 v14, v10;
	v12 =	vor.u32 v20, v12  }
0x77: {  	[tilespmem:v27+s7+$0x0] =	vst.idx.add.f32.msk $0xffff, v2;
	v29 =	vadd.s32 v4, v29;
	v16 =	vor.u32 v16, v57;
	v10 =	vor.u32 $0x80, v10  }
0x78: {  	[tilespmem:v26+s7+$0x0] =	vst.idx.add.f32.msk $0xffff, v2;
	v21 =	vadd.s32 v4, v21;
	v15 =	vor.u32 v15, v17;
	v60 =	vor.u32 $0x200, v16  }
0x79: {  	[tilespmem:v24+s7+$0x0] =	vst.idx.add.f32.msk $0xffff, v2;
	v61 =	vand.u32 $0xFFFFFC00, v59;
	v63 =	vadd.s32 v4, v13;
	v15 =	vor.u32 $0x380, v15  }
0x7a: {  	v3 =	vor.u32 v3, v6;
	v25 =	vor.u32 v25, v29;
	v4 =	vor.u32 v8, v63  }
0x7b: {  	v54 =	vor.u32 v22, v52;
	v11 =	vor.u32 v11, v21;
	v3 =	vor.u32 $0x100, v3;
	[tilespmem:v12+s7+$0x0] =	vst.idx.add.f32.msk $0xffff, v2  }
0x7c: {  	v5 =	vadd.s32 v5, v61;
	v14 =	vor.u32 $0x100, v54;
	v56 =	vshll.u32 v53, $0x3;
	[tilespmem:v10+s7+$0x0] =	vst.idx.add.f32.msk $0xffff, v2  }
0x7d: {  	v55 =	vor.u32 $0x280, v25;
	v11 =	vor.u32 $0x80, v11;
	v19 =	vand.u32 $0xFFFFFC00, v56;
	[tilespmem:v60+s7+$0x0] =	vst.idx.add.f32.msk $0xffff, v2  }
0x7e: {  	v5 =	vor.u32 v62, v5;
	v58 =	vand.u32 $0x7F, v53;
	v7 =	vadd.s32 v7, v19;
	[tilespmem:v15+s7+$0x0] =	vst.idx.add.f32.msk $0xffff, v2  }
0x7f: {  	v5 =	vor.u32 $0x180, v5;
	[tilespmem:v4+s7+$0x0] =	vst.idx.add.f32.msk $0xffff, v2;
	v7 =	vor.u32 v58, v7  }
0x80: {  	[tilespmem:v3+s7+$0x0] =	vst.idx.add.f32.msk $0xffff, v2;
	v7 =	vor.u32 $0x280, v7  }
0x81: {  	[tilespmem:v14+s7+$0x0] =	vst.idx.add.f32.msk $0xffff, v2  }
0x82: {  	[tilespmem:v55+s7+$0x0] =	vst.idx.add.f32.msk $0xffff, v2  }
0x83: {  	s9 =	sadd.s32 $0x1, s9;
	[tilespmem:v11+s7+$0x0] =	vst.idx.add.f32.msk $0xffff, v2  }
0x84: {  	p0 =	sne.s32 s9, s5;
	[tilespmem:v5+s7+$0x0] =	vst.idx.add.f32.msk $0xffff, v2  }
.Ltmp2:
0x85: {  	[tilespmem:v7+s7+$0x0] =	vst.idx.add.f32.msk $0xffff, v2;
	(pc) =	sbr.rel @p0 .LBB2_1-.Ltmp2, $4  }
0x86: {  	[hbm4b:s4+s2] =	stream.linear.scatter [tilespmem:s7], [sflag:$0x2], $0x4000, $0x38;
	[tilespmem:$0x8000] =	vst v63  }
0x87: {  	_ =	swait.ge [sflag:s8], $0x4000  }
0x88: {  	[sflag:s8] =	ssyncset.done $0x0  }
0x89: {  	[sflag:s8] =	ssyncadd.s32 $0xFFFFC000  }
0x8a: {  	_ =	sfence.sel $0x180000  }
0x8b: {  	[bflag:$0x0] =	sbarrier.arrive $0xFFFF  }
0x8c: {  	p0 =	sne.s32 s0, $0x0;
	_ =	strace $0x90000047  }
0x8d: {  	s0 =	sadd.s32 @!p0 $0x100000, s1;
	[bflag:$0x2] =	sbarrier.arrive $0xFFFF  }
0x8e: {  	[sflag:s0] =	ssyncadd.tile.s32 @!p0 $0x1;
	_ =	shalt  }
.Lfunc_end2:
_tile_overlayer_lowered:
.L_overlay_start_2:
0x8f: {  	(tag) =	ssettag $0x2  }
0x90: {  	s0 =	rddreg [dreg:$0x0];
	s2 =	stileid.u32  }
0x91: {  	s1 =	rddreg [dreg:$0x1];
	p0 =	sne.s32 s2, $0x0  }
0x92: {  	s3 =	rddreg [dreg:$0x2];
	[bflag:$0x3] =	sbarrier.arrive $0xFFFF;
	s2 =	simm.s32 @!p0 $0x1C02  }
0x93: {  	[timem:s3], [sflag:s2] =	dma.local @!p0 [hbm:s0], s1  }
0x94: {  	s0 =	simm.s32 @!p0 $0x2  }
0x95: {  	_ =	swait.ge @!p0 [sflag:s0], s1  }
0x96: {  	s1 =	ssub.s32 @!p0 $0x0, s1;
	[sflag:s0] =	ssyncset.done @!p0 $0x0  }
0x97: {  	[sflag:s0] =	ssyncadd.s32 @!p0 s1  }
0x98: {  	[bflag:$0x3] =	sbarrier.arrive $0xFFFF  }
0x99: {  	_ =	shalt  }

</sc_bundles>
